<compile_context>
chip_gen: v7x
topology: tpu7x:2x2x1
jax: 0.10.2.dev20260603
libtpu: 0.0.44.dev20260713+nightly
codegen_flags: <defaults>
</compile_context>

<pallas_src>
import functools

import jax
import jax.numpy as jnp
from jax import lax
from jax.experimental import pallas as pl
from jax.experimental.pallas import tpu as pltpu
from jax.experimental.pallas import tpu_sc as plsc

B = 16384
V = 64
D = 4
H = 10

_SC_INFO = plsc.get_sparse_core_info()
_NC = 1
_NS = _SC_INFO.num_subcores
_NW = _NC * _NS
_L = _SC_INFO.num_lanes
_BPW = B // _NW
_GRP = _BPW // _L


def _gelu_exact(h):
    return 0.5 * h * (1.0 + lax.erf(h * 0.7071067811865476))


def _mlp_table_kernel(emb_ref, w1_ref, b1_ref, w2_ref, b2_ref, w3_ref,
                      b3_ref, out_ref):
    h = emb_ref[...]
    h = jnp.dot(h, w1_ref[...], preferred_element_type=jnp.float32) + b1_ref[...]
    h = _gelu_exact(h)
    h = jnp.dot(h, w2_ref[...], preferred_element_type=jnp.float32) + b2_ref[...]
    h = _gelu_exact(h)
    h = jnp.dot(h, w3_ref[...], preferred_element_type=jnp.float32) + b3_ref[...]
    out_ref[...] = h


def _compute_table(emb, W1, b1, W2, b2, W3, b3):
    return pl.pallas_call(
        _mlp_table_kernel,
        out_shape=jax.ShapeDtypeStruct((V, D), jnp.float32),
    )(emb, W1, b1.reshape(1, H), W2, b2.reshape(1, H), W3,
      b3.reshape(1, D))


@functools.partial(
    pl.kernel,
    mesh=plsc.VectorSubcoreMesh(core_axis_name="c", subcore_axis_name="s",
                                num_cores=1),
    compiler_params=pltpu.CompilerParams(needs_layout_passes=False),
    out_type=jax.ShapeDtypeStruct((B * D,), jnp.float32),
    scratch_types=[
        pltpu.VMEM((_BPW,), jnp.int32),
        pltpu.VMEM((V * D,), jnp.float32),
        pltpu.VMEM((_BPW * D,), jnp.float32),
        pltpu.SemaphoreType.DMA,
    ],
)
def _sc_gather(x_hbm, table_hbm, out_hbm, x_v, table_v, out_v, sem):
    wid = lax.axis_index("s")
    base = wid * _BPW
    cx = pltpu.make_async_copy(x_hbm.at[pl.ds(base, _BPW)], x_v, sem)
    ct = pltpu.make_async_copy(table_hbm, table_v, sem)
    cx.start()
    ct.start()
    cx.wait()
    ct.wait()
    lane = lax.iota(jnp.int32, _L)

    def body(g, carry):
        xv = x_v[pl.ds(g * _L, _L)]
        src = xv * D
        dst = (g * _L + lane) * D
        for j in range(D):
            vals = plsc.load_gather(table_v, [src + j])
            plsc.store_scatter(out_v, [dst + j], vals)
        return carry

    lax.fori_loop(0, _GRP, body, 0, unroll=8)
    pltpu.sync_copy(out_v, out_hbm.at[pl.ds(base * D, _BPW * D)])


def kernel(x, emb, W1, b1, W2, b2, W3, b3):
    table = _compute_table(emb, W1, b1, W2, b2, W3, b3)
    out_flat = _sc_gather(x.astype(jnp.int32), table.reshape(V * D))
    return out_flat.reshape(B, D)

# --- scband reference (transcript-rebuilt; emitter-appended) ---
"""Pipeline reference for scband-qnn-67680094650987 (READ-ONLY COPY).

The authoritative reference and input builder live on the scoring server;
editing this copy changes nothing except your own understanding.
"""

import jax, jax.numpy as jnp
import numpy as np

def setup_inputs(seed: int = 0) -> dict:
    key = jax.random.key(seed)
    ks = jax.random.split(key, 8)
    x = jax.random.randint(ks[0], (16384,), 0, 64, dtype=jnp.int64 if jax.config.read('jax_enable_x64') else jnp.int32)
    emb = jax.random.normal(ks[1], (64, 4), dtype=jnp.float32)
    W1 = jax.random.normal(ks[2], (4, 10), dtype=jnp.float32) * (1.0 / np.sqrt(4))
    b1 = jnp.zeros((10,), dtype=jnp.float32)
    W2 = jax.random.normal(ks[3], (10, 10), dtype=jnp.float32) * (1.0 / np.sqrt(10))
    b2 = jnp.zeros((10,), dtype=jnp.float32)
    W3 = jax.random.normal(ks[4], (10, 4), dtype=jnp.float32) * (1.0 / np.sqrt(10))
    b3 = jnp.zeros((4,), dtype=jnp.float32)
    return {"x": x, "emb": emb, "W1": W1, "b1": b1, "W2": W2, "b2": b2, "W3": W3, "b3": b3}

def reference(x, emb, W1, b1, W2, b2, W3, b3):
    h = jnp.take(emb, x, axis=0)
    h = jnp.dot(h, W1) + b1
    h = jax.nn.gelu(h, approximate=False)
    h = jnp.dot(h, W2) + b2
    h = jax.nn.gelu(h, approximate=False)
    h = jnp.dot(h, W3) + b3
    return h

if __name__ == "__main__":
    import jax
    _d = setup_inputs()
    print(jax.jit(kernel)(*tuple(_d.values())))

</pallas_src>

<mosaic_0001>
#map = affine_map<(d0, d1) -> (0)>
module attributes {stable_mosaic.version = 14 : i64} {
  func.func @_sc_gather(%arg0: i32, %arg1: i32, %arg2: memref<16384xi32, #tpu.memory_space<hbm>>, %arg3: memref<256xf32, #tpu.memory_space<hbm>>, %arg4: memref<65536xf32, #tpu.memory_space<hbm>>, %arg5: memref<1024xi32, #tpu.memory_space<vmem>>, %arg6: memref<256xf32, #tpu.memory_space<vmem>>, %arg7: memref<4096xf32, #tpu.memory_space<vmem>>, %arg8: memref<!tpu.dma_semaphore, #tpu.memory_space<semaphore_mem>>) attributes {dimension_semantics = [#tpu.dimension_semantics<core_parallel>, #tpu.dimension_semantics<subcore_parallel>], iteration_bounds = array<i64: 1, 16>, scalar_prefetch = 0 : i64, scratch_operands = 4 : i64, tpu.core_type = #tpu.core_type<sc_vector_subcore>, window_params = [{transform_indices = #map}, {transform_indices = #map}, {transform_indices = #map}]} {
    %mul3A = arith.constant 1024 : i32
    %mul3A_0 = arith.muli %arg1, %mul3A : i32
    %dma_start3A = tpu.memref_slice %arg2[%mul3A_0] : memref<16384xi32, #tpu.memory_space<hbm>> -> memref<1024xi32, #tpu.memory_space<hbm>>
    %dma_start3A_1 = tpu.memref_slice %arg2[%mul3A_0] : memref<16384xi32, #tpu.memory_space<hbm>> -> memref<1024xi32, #tpu.memory_space<hbm>>
    tpu.enqueue_dma source(%dma_start3A_1 : memref<1024xi32, #tpu.memory_space<hbm>>) target(%arg5 : memref<1024xi32, #tpu.memory_space<vmem>>) target_semaphore(%arg8 : memref<!tpu.dma_semaphore, #tpu.memory_space<semaphore_mem>>)
    tpu.enqueue_dma source(%arg3 : memref<256xf32, #tpu.memory_space<hbm>>) target(%arg6 : memref<256xf32, #tpu.memory_space<vmem>>) target_semaphore(%arg8 : memref<!tpu.dma_semaphore, #tpu.memory_space<semaphore_mem>>)
    %dma_wait3A = tpu.memref_slice %arg2[%mul3A_0] : memref<16384xi32, #tpu.memory_space<hbm>> -> memref<1024xi32, #tpu.memory_space<hbm>>
    %dma_wait3A_2 = tpu.memref_slice %arg2[%mul3A_0] : memref<16384xi32, #tpu.memory_space<hbm>> -> memref<1024xi32, #tpu.memory_space<hbm>>
    tpu.wait_dma2 semaphore(%arg8 : memref<!tpu.dma_semaphore, #tpu.memory_space<semaphore_mem>>) src(%dma_wait3A_2 : memref<1024xi32, #tpu.memory_space<hbm>>) dst(%arg5 : memref<1024xi32, #tpu.memory_space<vmem>>)
    tpu.wait_dma2 semaphore(%arg8 : memref<!tpu.dma_semaphore, #tpu.memory_space<semaphore_mem>>) src(%arg3 : memref<256xf32, #tpu.memory_space<hbm>>) dst(%arg6 : memref<256xf32, #tpu.memory_space<vmem>>)
    %iota3A = tpu.iota {dimensions = array<i32: 0>} : vector<16xi32>
    %scan3A = arith.constant 0 : i32
    %scan3A_3 = arith.constant 0 : i32
    %scan3A_4 = arith.constant 64 : i32
    %scan3A_5 = arith.addi %scan3A_3, %scan3A_4 : i32
    %scan3A_6 = arith.constant 8 : i32
    scf.for %scan3A_10 = %scan3A_3 to %scan3A_5 step %scan3A_6  : i32 {
      %mul3A_11 = arith.constant 16 : i32
      %mul3A_12 = arith.muli %scan3A_10, %mul3A_11 : i32
      %get3A = arith.index_cast %mul3A_12 : i32 to index
      %get3A_13 = tpu.vector_load %arg5[%get3A] {strides = array<i32>} : memref<1024xi32, #tpu.memory_space<vmem>>, vector<16xi32>,
      %mul3A_14 = arith.constant 4 : i32
      %mul3A_15 = vector.broadcast %mul3A_14 : i32 to vector<16xi32>
      %mul3A_16 = arith.muli %get3A_13, %mul3A_15 : vector<16xi32>
      %mul3A_17 = arith.constant 16 : i32
      %mul3A_18 = arith.muli %scan3A_10, %mul3A_17 : i32
      %add3A = vector.broadcast %mul3A_18 : i32 to vector<16xi32>
      %add3A_19 = arith.addi %add3A, %iota3A : vector<16xi32>
      %mul3A_20 = arith.constant 4 : i32
      %mul3A_21 = vector.broadcast %mul3A_20 : i32 to vector<16xi32>
      %mul3A_22 = arith.muli %add3A_19, %mul3A_21 : vector<16xi32>
      %add3A_23 = arith.constant 0 : i32
      %add3A_24 = vector.broadcast %add3A_23 : i32 to vector<16xi32>
      %add3A_25 = arith.addi %mul3A_16, %add3A_24 : vector<16xi32>
      %gather3A = tpu.vector_load_idx %arg6[%add3A_25] : memref<256xf32, #tpu.memory_space<vmem>>[vector<16xi32>], vector<16xf32>,
      %add3A_26 = arith.constant 0 : i32
      %add3A_27 = vector.broadcast %add3A_26 : i32 to vector<16xi32>
      %add3A_28 = arith.addi %mul3A_22, %add3A_27 : vector<16xi32>
      tpu.vector_store_idx %arg7[%add3A_28], %gather3A : memref<4096xf32, #tpu.memory_space<vmem>>[vector<16xi32>], vector<16xf32>,
      %add3A_29 = arith.constant 1 : i32
      %add3A_30 = vector.broadcast %add3A_29 : i32 to vector<16xi32>
      %add3A_31 = arith.addi %mul3A_16, %add3A_30 : vector<16xi32>
      %gather3A_32 = tpu.vector_load_idx %arg6[%add3A_31] : memref<256xf32, #tpu.memory_space<vmem>>[vector<16xi32>], vector<16xf32>,
      %add3A_33 = arith.constant 1 : i32
      %add3A_34 = vector.broadcast %add3A_33 : i32 to vector<16xi32>
      %add3A_35 = arith.addi %mul3A_22, %add3A_34 : vector<16xi32>
      tpu.vector_store_idx %arg7[%add3A_35], %gather3A_32 : memref<4096xf32, #tpu.memory_space<vmem>>[vector<16xi32>], vector<16xf32>,
      %add3A_36 = arith.constant 2 : i32
      %add3A_37 = vector.broadcast %add3A_36 : i32 to vector<16xi32>
      %add3A_38 = arith.addi %mul3A_16, %add3A_37 : vector<16xi32>
      %gather3A_39 = tpu.vector_load_idx %arg6[%add3A_38] : memref<256xf32, #tpu.memory_space<vmem>>[vector<16xi32>], vector<16xf32>,
      %add3A_40 = arith.constant 2 : i32
      %add3A_41 = vector.broadcast %add3A_40 : i32 to vector<16xi32>
      %add3A_42 = arith.addi %mul3A_22, %add3A_41 : vector<16xi32>
      tpu.vector_store_idx %arg7[%add3A_42], %gather3A_39 : memref<4096xf32, #tpu.memory_space<vmem>>[vector<16xi32>], vector<16xf32>,
      %add3A_43 = arith.constant 3 : i32
      %add3A_44 = vector.broadcast %add3A_43 : i32 to vector<16xi32>
      %add3A_45 = arith.addi %mul3A_16, %add3A_44 : vector<16xi32>
      %gather3A_46 = tpu.vector_load_idx %arg6[%add3A_45] : memref<256xf32, #tpu.memory_space<vmem>>[vector<16xi32>], vector<16xf32>,
      %add3A_47 = arith.constant 3 : i32
      %add3A_48 = vector.broadcast %add3A_47 : i32 to vector<16xi32>
      %add3A_49 = arith.addi %mul3A_22, %add3A_48 : vector<16xi32>
      tpu.vector_store_idx %arg7[%add3A_49], %gather3A_46 : memref<4096xf32, #tpu.memory_space<vmem>>[vector<16xi32>], vector<16xf32>,
      %scan3A_50 = arith.constant 1 : i32
      %scan3A_51 = arith.addi %scan3A_10, %scan3A_50 : i32
      %mul3A_52 = arith.constant 16 : i32
      %mul3A_53 = arith.muli %scan3A_51, %mul3A_52 : i32
      %get3A_54 = arith.index_cast %mul3A_53 : i32 to index
      %get3A_55 = tpu.vector_load %arg5[%get3A_54] {strides = array<i32>} : memref<1024xi32, #tpu.memory_space<vmem>>, vector<16xi32>,
      %mul3A_56 = arith.constant 4 : i32
      %mul3A_57 = vector.broadcast %mul3A_56 : i32 to vector<16xi32>
      %mul3A_58 = arith.muli %get3A_55, %mul3A_57 : vector<16xi32>
      %mul3A_59 = arith.constant 16 : i32
      %mul3A_60 = arith.muli %scan3A_51, %mul3A_59 : i32
      %add3A_61 = vector.broadcast %mul3A_60 : i32 to vector<16xi32>
      %add3A_62 = arith.addi %add3A_61, %iota3A : vector<16xi32>
      %mul3A_63 = arith.constant 4 : i32
      %mul3A_64 = vector.broadcast %mul3A_63 : i32 to vector<16xi32>
      %mul3A_65 = arith.muli %add3A_62, %mul3A_64 : vector<16xi32>
      %add3A_66 = arith.constant 0 : i32
      %add3A_67 = vector.broadcast %add3A_66 : i32 to vector<16xi32>
      %add3A_68 = arith.addi %mul3A_58, %add3A_67 : vector<16xi32>
      %gather3A_69 = tpu.vector_load_idx %arg6[%add3A_68] : memref<256xf32, #tpu.memory_space<vmem>>[vector<16xi32>], vector<16xf32>,
      %add3A_70 = arith.constant 0 : i32
      %add3A_71 = vector.broadcast %add3A_70 : i32 to vector<16xi32>
      %add3A_72 = arith.addi %mul3A_65, %add3A_71 : vector<16xi32>
      tpu.vector_store_idx %arg7[%add3A_72], %gather3A_69 : memref<4096xf32, #tpu.memory_space<vmem>>[vector<16xi32>], vector<16xf32>,
      %add3A_73 = arith.constant 1 : i32
      %add3A_74 = vector.broadcast %add3A_73 : i32 to vector<16xi32>
      %add3A_75 = arith.addi %mul3A_58, %add3A_74 : vector<16xi32>
      %gather3A_76 = tpu.vector_load_idx %arg6[%add3A_75] : memref<256xf32, #tpu.memory_space<vmem>>[vector<16xi32>], vector<16xf32>,
      %add3A_77 = arith.constant 1 : i32
      %add3A_78 = vector.broadcast %add3A_77 : i32 to vector<16xi32>
      %add3A_79 = arith.addi %mul3A_65, %add3A_78 : vector<16xi32>
      tpu.vector_store_idx %arg7[%add3A_79], %gather3A_76 : memref<4096xf32, #tpu.memory_space<vmem>>[vector<16xi32>], vector<16xf32>,
      %add3A_80 = arith.constant 2 : i32
      %add3A_81 = vector.broadcast %add3A_80 : i32 to vector<16xi32>
      %add3A_82 = arith.addi %mul3A_58, %add3A_81 : vector<16xi32>
      %gather3A_83 = tpu.vector_load_idx %arg6[%add3A_82] : memref<256xf32, #tpu.memory_space<vmem>>[vector<16xi32>], vector<16xf32>,
      %add3A_84 = arith.constant 2 : i32
      %add3A_85 = vector.broadcast %add3A_84 : i32 to vector<16xi32>
      %add3A_86 = arith.addi %mul3A_65, %add3A_85 : vector<16xi32>
      tpu.vector_store_idx %arg7[%add3A_86], %gather3A_83 : memref<4096xf32, #tpu.memory_space<vmem>>[vector<16xi32>], vector<16xf32>,
      %add3A_87 = arith.constant 3 : i32
      %add3A_88 = vector.broadcast %add3A_87 : i32 to vector<16xi32>
      %add3A_89 = arith.addi %mul3A_58, %add3A_88 : vector<16xi32>
      %gather3A_90 = tpu.vector_load_idx %arg6[%add3A_89] : memref<256xf32, #tpu.memory_space<vmem>>[vector<16xi32>], vector<16xf32>,
      %add3A_91 = arith.constant 3 : i32
      %add3A_92 = vector.broadcast %add3A_91 : i32 to vector<16xi32>
      %add3A_93 = arith.addi %mul3A_65, %add3A_92 : vector<16xi32>
      tpu.vector_store_idx %arg7[%add3A_93], %gather3A_90 : memref<4096xf32, #tpu.memory_space<vmem>>[vector<16xi32>], vector<16xf32>,
      %scan3A_94 = arith.constant 2 : i32
      %scan3A_95 = arith.addi %scan3A_10, %scan3A_94 : i32
      %mul3A_96 = arith.constant 16 : i32
      %mul3A_97 = arith.muli %scan3A_95, %mul3A_96 : i32
      %get3A_98 = arith.index_cast %mul3A_97 : i32 to index
      %get3A_99 = tpu.vector_load %arg5[%get3A_98] {strides = array<i32>} : memref<1024xi32, #tpu.memory_space<vmem>>, vector<16xi32>,
      %mul3A_100 = arith.constant 4 : i32
      %mul3A_101 = vector.broadcast %mul3A_100 : i32 to vector<16xi32>
      %mul3A_102 = arith.muli %get3A_99, %mul3A_101 : vector<16xi32>
      %mul3A_103 = arith.constant 16 : i32
      %mul3A_104 = arith.muli %scan3A_95, %mul3A_103 : i32
      %add3A_105 = vector.broadcast %mul3A_104 : i32 to vector<16xi32>
      %add3A_106 = arith.addi %add3A_105, %iota3A : vector<16xi32>
      %mul3A_107 = arith.constant 4 : i32
      %mul3A_108 = vector.broadcast %mul3A_107 : i32 to vector<16xi32>
      %mul3A_109 = arith.muli %add3A_106, %mul3A_108 : vector<16xi32>
      %add3A_110 = arith.constant 0 : i32
      %add3A_111 = vector.broadcast %add3A_110 : i32 to vector<16xi32>
      %add3A_112 = arith.addi %mul3A_102, %add3A_111 : vector<16xi32>
      %gather3A_113 = tpu.vector_load_idx %arg6[%add3A_112] : memref<256xf32, #tpu.memory_space<vmem>>[vector<16xi32>], vector<16xf32>,
      %add3A_114 = arith.constant 0 : i32
      %add3A_115 = vector.broadcast %add3A_114 : i32 to vector<16xi32>
      %add3A_116 = arith.addi %mul3A_109, %add3A_115 : vector<16xi32>
      tpu.vector_store_idx %arg7[%add3A_116], %gather3A_113 : memref<4096xf32, #tpu.memory_space<vmem>>[vector<16xi32>], vector<16xf32>,
      %add3A_117 = arith.constant 1 : i32
      %add3A_118 = vector.broadcast %add3A_117 : i32 to vector<16xi32>
      %add3A_119 = arith.addi %mul3A_102, %add3A_118 : vector<16xi32>
      %gather3A_120 = tpu.vector_load_idx %arg6[%add3A_119] : memref<256xf32, #tpu.memory_space<vmem>>[vector<16xi32>], vector<16xf32>,
      %add3A_121 = arith.constant 1 : i32
      %add3A_122 = vector.broadcast %add3A_121 : i32 to vector<16xi32>
      %add3A_123 = arith.addi %mul3A_109, %add3A_122 : vector<16xi32>
      tpu.vector_store_idx %arg7[%add3A_123], %gather3A_120 : memref<4096xf32, #tpu.memory_space<vmem>>[vector<16xi32>], vector<16xf32>,
      %add3A_124 = arith.constant 2 : i32
      %add3A_125 = vector.broadcast %add3A_124 : i32 to vector<16xi32>
      %add3A_126 = arith.addi %mul3A_102, %add3A_125 : vector<16xi32>
      %gather3A_127 = tpu.vector_load_idx %arg6[%add3A_126] : memref<256xf32, #tpu.memory_space<vmem>>[vector<16xi32>], vector<16xf32>,
      %add3A_128 = arith.constant 2 : i32
      %add3A_129 = vector.broadcast %add3A_128 : i32 to vector<16xi32>
      %add3A_130 = arith.addi %mul3A_109, %add3A_129 : vector<16xi32>
      tpu.vector_store_idx %arg7[%add3A_130], %gather3A_127 : memref<4096xf32, #tpu.memory_space<vmem>>[vector<16xi32>], vector<16xf32>,
      %add3A_131 = arith.constant 3 : i32
      %add3A_132 = vector.broadcast %add3A_131 : i32 to vector<16xi32>
      %add3A_133 = arith.addi %mul3A_102, %add3A_132 : vector<16xi32>
      %gather3A_134 = tpu.vector_load_idx %arg6[%add3A_133] : memref<256xf32, #tpu.memory_space<vmem>>[vector<16xi32>], vector<16xf32>,
      %add3A_135 = arith.constant 3 : i32
      %add3A_136 = vector.broadcast %add3A_135 : i32 to vector<16xi32>
      %add3A_137 = arith.addi %mul3A_109, %add3A_136 : vector<16xi32>
      tpu.vector_store_idx %arg7[%add3A_137], %gather3A_134 : memref<4096xf32, #tpu.memory_space<vmem>>[vector<16xi32>], vector<16xf32>,
      %scan3A_138 = arith.constant 3 : i32
      %scan3A_139 = arith.addi %scan3A_10, %scan3A_138 : i32
      %mul3A_140 = arith.constant 16 : i32
      %mul3A_141 = arith.muli %scan3A_139, %mul3A_140 : i32
      %get3A_142 = arith.index_cast %mul3A_141 : i32 to index
      %get3A_143 = tpu.vector_load %arg5[%get3A_142] {strides = array<i32>} : memref<1024xi32, #tpu.memory_space<vmem>>, vector<16xi32>,
      %mul3A_144 = arith.constant 4 : i32
      %mul3A_145 = vector.broadcast %mul3A_144 : i32 to vector<16xi32>
      %mul3A_146 = arith.muli %get3A_143, %mul3A_145 : vector<16xi32>
      %mul3A_147 = arith.constant 16 : i32
      %mul3A_148 = arith.muli %scan3A_139, %mul3A_147 : i32
      %add3A_149 = vector.broadcast %mul3A_148 : i32 to vector<16xi32>
      %add3A_150 = arith.addi %add3A_149, %iota3A : vector<16xi32>
      %mul3A_151 = arith.constant 4 : i32
      %mul3A_152 = vector.broadcast %mul3A_151 : i32 to vector<16xi32>
      %mul3A_153 = arith.muli %add3A_150, %mul3A_152 : vector<16xi32>
      %add3A_154 = arith.constant 0 : i32
      %add3A_155 = vector.broadcast %add3A_154 : i32 to vector<16xi32>
      %add3A_156 = arith.addi %mul3A_146, %add3A_155 : vector<16xi32>
      %gather3A_157 = tpu.vector_load_idx %arg6[%add3A_156] : memref<256xf32, #tpu.memory_space<vmem>>[vector<16xi32>], vector<16xf32>,
      %add3A_158 = arith.constant 0 : i32
      %add3A_159 = vector.broadcast %add3A_158 : i32 to vector<16xi32>
      %add3A_160 = arith.addi %mul3A_153, %add3A_159 : vector<16xi32>
      tpu.vector_store_idx %arg7[%add3A_160], %gather3A_157 : memref<4096xf32, #tpu.memory_space<vmem>>[vector<16xi32>], vector<16xf32>,
      %add3A_161 = arith.constant 1 : i32
      %add3A_162 = vector.broadcast %add3A_161 : i32 to vector<16xi32>
      %add3A_163 = arith.addi %mul3A_146, %add3A_162 : vector<16xi32>
      %gather3A_164 = tpu.vector_load_idx %arg6[%add3A_163] : memref<256xf32, #tpu.memory_space<vmem>>[vector<16xi32>], vector<16xf32>,
      %add3A_165 = arith.constant 1 : i32
      %add3A_166 = vector.broadcast %add3A_165 : i32 to vector<16xi32>
      %add3A_167 = arith.addi %mul3A_153, %add3A_166 : vector<16xi32>
      tpu.vector_store_idx %arg7[%add3A_167], %gather3A_164 : memref<4096xf32, #tpu.memory_space<vmem>>[vector<16xi32>], vector<16xf32>,
      %add3A_168 = arith.constant 2 : i32
      %add3A_169 = vector.broadcast %add3A_168 : i32 to vector<16xi32>
      %add3A_170 = arith.addi %mul3A_146, %add3A_169 : vector<16xi32>
      %gather3A_171 = tpu.vector_load_idx %arg6[%add3A_170] : memref<256xf32, #tpu.memory_space<vmem>>[vector<16xi32>], vector<16xf32>,
      %add3A_172 = arith.constant 2 : i32
      %add3A_173 = vector.broadcast %add3A_172 : i32 to vector<16xi32>
      %add3A_174 = arith.addi %mul3A_153, %add3A_173 : vector<16xi32>
      tpu.vector_store_idx %arg7[%add3A_174], %gather3A_171 : memref<4096xf32, #tpu.memory_space<vmem>>[vector<16xi32>], vector<16xf32>,
      %add3A_175 = arith.constant 3 : i32
      %add3A_176 = vector.broadcast %add3A_175 : i32 to vector<16xi32>
      %add3A_177 = arith.addi %mul3A_146, %add3A_176 : vector<16xi32>
      %gather3A_178 = tpu.vector_load_idx %arg6[%add3A_177] : memref<256xf32, #tpu.memory_space<vmem>>[vector<16xi32>], vector<16xf32>,
      %add3A_179 = arith.constant 3 : i32
      %add3A_180 = vector.broadcast %add3A_179 : i32 to vector<16xi32>
      %add3A_181 = arith.addi %mul3A_153, %add3A_180 : vector<16xi32>
      tpu.vector_store_idx %arg7[%add3A_181], %gather3A_178 : memref<4096xf32, #tpu.memory_space<vmem>>[vector<16xi32>], vector<16xf32>,
      %scan3A_182 = arith.constant 4 : i32
      %scan3A_183 = arith.addi %scan3A_10, %scan3A_182 : i32
      %mul3A_184 = arith.constant 16 : i32
      %mul3A_185 = arith.muli %scan3A_183, %mul3A_184 : i32
      %get3A_186 = arith.index_cast %mul3A_185 : i32 to index
      %get3A_187 = tpu.vector_load %arg5[%get3A_186] {strides = array<i32>} : memref<1024xi32, #tpu.memory_space<vmem>>, vector<16xi32>,
      %mul3A_188 = arith.constant 4 : i32
      %mul3A_189 = vector.broadcast %mul3A_188 : i32 to vector<16xi32>
      %mul3A_190 = arith.muli %get3A_187, %mul3A_189 : vector<16xi32>
      %mul3A_191 = arith.constant 16 : i32
      %mul3A_192 = arith.muli %scan3A_183, %mul3A_191 : i32
      %add3A_193 = vector.broadcast %mul3A_192 : i32 to vector<16xi32>
      %add3A_194 = arith.addi %add3A_193, %iota3A : vector<16xi32>
      %mul3A_195 = arith.constant 4 : i32
      %mul3A_196 = vector.broadcast %mul3A_195 : i32 to vector<16xi32>
      %mul3A_197 = arith.muli %add3A_194, %mul3A_196 : vector<16xi32>
      %add3A_198 = arith.constant 0 : i32
      %add3A_199 = vector.broadcast %add3A_198 : i32 to vector<16xi32>
      %add3A_200 = arith.addi %mul3A_190, %add3A_199 : vector<16xi32>
      %gather3A_201 = tpu.vector_load_idx %arg6[%add3A_200] : memref<256xf32, #tpu.memory_space<vmem>>[vector<16xi32>], vector<16xf32>,
      %add3A_202 = arith.constant 0 : i32
      %add3A_203 = vector.broadcast %add3A_202 : i32 to vector<16xi32>
      %add3A_204 = arith.addi %mul3A_197, %add3A_203 : vector<16xi32>
      tpu.vector_store_idx %arg7[%add3A_204], %gather3A_201 : memref<4096xf32, #tpu.memory_space<vmem>>[vector<16xi32>], vector<16xf32>,
      %add3A_205 = arith.constant 1 : i32
      %add3A_206 = vector.broadcast %add3A_205 : i32 to vector<16xi32>
      %add3A_207 = arith.addi %mul3A_190, %add3A_206 : vector<16xi32>
      %gather3A_208 = tpu.vector_load_idx %arg6[%add3A_207] : memref<256xf32, #tpu.memory_space<vmem>>[vector<16xi32>], vector<16xf32>,
      %add3A_209 = arith.constant 1 : i32
      %add3A_210 = vector.broadcast %add3A_209 : i32 to vector<16xi32>
      %add3A_211 = arith.addi %mul3A_197, %add3A_210 : vector<16xi32>
      tpu.vector_store_idx %arg7[%add3A_211], %gather3A_208 : memref<4096xf32, #tpu.memory_space<vmem>>[vector<16xi32>], vector<16xf32>,
      %add3A_212 = arith.constant 2 : i32
      %add3A_213 = vector.broadcast %add3A_212 : i32 to vector<16xi32>
      %add3A_214 = arith.addi %mul3A_190, %add3A_213 : vector<16xi32>
      %gather3A_215 = tpu.vector_load_idx %arg6[%add3A_214] : memref<256xf32, #tpu.memory_space<vmem>>[vector<16xi32>], vector<16xf32>,
      %add3A_216 = arith.constant 2 : i32
      %add3A_217 = vector.broadcast %add3A_216 : i32 to vector<16xi32>
      %add3A_218 = arith.addi %mul3A_197, %add3A_217 : vector<16xi32>
      tpu.vector_store_idx %arg7[%add3A_218], %gather3A_215 : memref<4096xf32, #tpu.memory_space<vmem>>[vector<16xi32>], vector<16xf32>,
      %add3A_219 = arith.constant 3 : i32
      %add3A_220 = vector.broadcast %add3A_219 : i32 to vector<16xi32>
      %add3A_221 = arith.addi %mul3A_190, %add3A_220 : vector<16xi32>
      %gather3A_222 = tpu.vector_load_idx %arg6[%add3A_221] : memref<256xf32, #tpu.memory_space<vmem>>[vector<16xi32>], vector<16xf32>,
      %add3A_223 = arith.constant 3 : i32
      %add3A_224 = vector.broadcast %add3A_223 : i32 to vector<16xi32>
      %add3A_225 = arith.addi %mul3A_197, %add3A_224 : vector<16xi32>
      tpu.vector_store_idx %arg7[%add3A_225], %gather3A_222 : memref<4096xf32, #tpu.memory_space<vmem>>[vector<16xi32>], vector<16xf32>,
      %scan3A_226 = arith.constant 5 : i32
      %scan3A_227 = arith.addi %scan3A_10, %scan3A_226 : i32
      %mul3A_228 = arith.constant 16 : i32
      %mul3A_229 = arith.muli %scan3A_227, %mul3A_228 : i32
      %get3A_230 = arith.index_cast %mul3A_229 : i32 to index
      %get3A_231 = tpu.vector_load %arg5[%get3A_230] {strides = array<i32>} : memref<1024xi32, #tpu.memory_space<vmem>>, vector<16xi32>,
      %mul3A_232 = arith.constant 4 : i32
      %mul3A_233 = vector.broadcast %mul3A_232 : i32 to vector<16xi32>
      %mul3A_234 = arith.muli %get3A_231, %mul3A_233 : vector<16xi32>
      %mul3A_235 = arith.constant 16 : i32
      %mul3A_236 = arith.muli %scan3A_227, %mul3A_235 : i32
      %add3A_237 = vector.broadcast %mul3A_236 : i32 to vector<16xi32>
      %add3A_238 = arith.addi %add3A_237, %iota3A : vector<16xi32>
      %mul3A_239 = arith.constant 4 : i32
      %mul3A_240 = vector.broadcast %mul3A_239 : i32 to vector<16xi32>
      %mul3A_241 = arith.muli %add3A_238, %mul3A_240 : vector<16xi32>
      %add3A_242 = arith.constant 0 : i32
      %add3A_243 = vector.broadcast %add3A_242 : i32 to vector<16xi32>
      %add3A_244 = arith.addi %mul3A_234, %add3A_243 : vector<16xi32>
      %gather3A_245 = tpu.vector_load_idx %arg6[%add3A_244] : memref<256xf32, #tpu.memory_space<vmem>>[vector<16xi32>], vector<16xf32>,
      %add3A_246 = arith.constant 0 : i32
      %add3A_247 = vector.broadcast %add3A_246 : i32 to vector<16xi32>
      %add3A_248 = arith.addi %mul3A_241, %add3A_247 : vector<16xi32>
      tpu.vector_store_idx %arg7[%add3A_248], %gather3A_245 : memref<4096xf32, #tpu.memory_space<vmem>>[vector<16xi32>], vector<16xf32>,
      %add3A_249 = arith.constant 1 : i32
      %add3A_250 = vector.broadcast %add3A_249 : i32 to vector<16xi32>
      %add3A_251 = arith.addi %mul3A_234, %add3A_250 : vector<16xi32>
      %gather3A_252 = tpu.vector_load_idx %arg6[%add3A_251] : memref<256xf32, #tpu.memory_space<vmem>>[vector<16xi32>], vector<16xf32>,
      %add3A_253 = arith.constant 1 : i32
      %add3A_254 = vector.broadcast %add3A_253 : i32 to vector<16xi32>
      %add3A_255 = arith.addi %mul3A_241, %add3A_254 : vector<16xi32>
      tpu.vector_store_idx %arg7[%add3A_255], %gather3A_252 : memref<4096xf32, #tpu.memory_space<vmem>>[vector<16xi32>], vector<16xf32>,
      %add3A_256 = arith.constant 2 : i32
      %add3A_257 = vector.broadcast %add3A_256 : i32 to vector<16xi32>
      %add3A_258 = arith.addi %mul3A_234, %add3A_257 : vector<16xi32>
      %gather3A_259 = tpu.vector_load_idx %arg6[%add3A_258] : memref<256xf32, #tpu.memory_space<vmem>>[vector<16xi32>], vector<16xf32>,
      %add3A_260 = arith.constant 2 : i32
      %add3A_261 = vector.broadcast %add3A_260 : i32 to vector<16xi32>
      %add3A_262 = arith.addi %mul3A_241, %add3A_261 : vector<16xi32>
      tpu.vector_store_idx %arg7[%add3A_262], %gather3A_259 : memref<4096xf32, #tpu.memory_space<vmem>>[vector<16xi32>], vector<16xf32>,
      %add3A_263 = arith.constant 3 : i32
      %add3A_264 = vector.broadcast %add3A_263 : i32 to vector<16xi32>
      %add3A_265 = arith.addi %mul3A_234, %add3A_264 : vector<16xi32>
      %gather3A_266 = tpu.vector_load_idx %arg6[%add3A_265] : memref<256xf32, #tpu.memory_space<vmem>>[vector<16xi32>], vector<16xf32>,
      %add3A_267 = arith.constant 3 : i32
      %add3A_268 = vector.broadcast %add3A_267 : i32 to vector<16xi32>
      %add3A_269 = arith.addi %mul3A_241, %add3A_268 : vector<16xi32>
      tpu.vector_store_idx %arg7[%add3A_269], %gather3A_266 : memref<4096xf32, #tpu.memory_space<vmem>>[vector<16xi32>], vector<16xf32>,
      %scan3A_270 = arith.constant 6 : i32
      %scan3A_271 = arith.addi %scan3A_10, %scan3A_270 : i32
      %mul3A_272 = arith.constant 16 : i32
      %mul3A_273 = arith.muli %scan3A_271, %mul3A_272 : i32
      %get3A_274 = arith.index_cast %mul3A_273 : i32 to index
      %get3A_275 = tpu.vector_load %arg5[%get3A_274] {strides = array<i32>} : memref<1024xi32, #tpu.memory_space<vmem>>, vector<16xi32>,
      %mul3A_276 = arith.constant 4 : i32
      %mul3A_277 = vector.broadcast %mul3A_276 : i32 to vector<16xi32>
      %mul3A_278 = arith.muli %get3A_275, %mul3A_277 : vector<16xi32>
      %mul3A_279 = arith.constant 16 : i32
      %mul3A_280 = arith.muli %scan3A_271, %mul3A_279 : i32
      %add3A_281 = vector.broadcast %mul3A_280 : i32 to vector<16xi32>
      %add3A_282 = arith.addi %add3A_281, %iota3A : vector<16xi32>
      %mul3A_283 = arith.constant 4 : i32
      %mul3A_284 = vector.broadcast %mul3A_283 : i32 to vector<16xi32>
      %mul3A_285 = arith.muli %add3A_282, %mul3A_284 : vector<16xi32>
      %add3A_286 = arith.constant 0 : i32
      %add3A_287 = vector.broadcast %add3A_286 : i32 to vector<16xi32>
      %add3A_288 = arith.addi %mul3A_278, %add3A_287 : vector<16xi32>
      %gather3A_289 = tpu.vector_load_idx %arg6[%add3A_288] : memref<256xf32, #tpu.memory_space<vmem>>[vector<16xi32>], vector<16xf32>,
      %add3A_290 = arith.constant 0 : i32
      %add3A_291 = vector.broadcast %add3A_290 : i32 to vector<16xi32>
      %add3A_292 = arith.addi %mul3A_285, %add3A_291 : vector<16xi32>
      tpu.vector_store_idx %arg7[%add3A_292], %gather3A_289 : memref<4096xf32, #tpu.memory_space<vmem>>[vector<16xi32>], vector<16xf32>,
      %add3A_293 = arith.constant 1 : i32
      %add3A_294 = vector.broadcast %add3A_293 : i32 to vector<16xi32>
      %add3A_295 = arith.addi %mul3A_278, %add3A_294 : vector<16xi32>
      %gather3A_296 = tpu.vector_load_idx %arg6[%add3A_295] : memref<256xf32, #tpu.memory_space<vmem>>[vector<16xi32>], vector<16xf32>,
      %add3A_297 = arith.constant 1 : i32
      %add3A_298 = vector.broadcast %add3A_297 : i32 to vector<16xi32>
      %add3A_299 = arith.addi %mul3A_285, %add3A_298 : vector<16xi32>
      tpu.vector_store_idx %arg7[%add3A_299], %gather3A_296 : memref<4096xf32, #tpu.memory_space<vmem>>[vector<16xi32>], vector<16xf32>,
      %add3A_300 = arith.constant 2 : i32
      %add3A_301 = vector.broadcast %add3A_300 : i32 to vector<16xi32>
      %add3A_302 = arith.addi %mul3A_278, %add3A_301 : vector<16xi32>
      %gather3A_303 = tpu.vector_load_idx %arg6[%add3A_302] : memref<256xf32, #tpu.memory_space<vmem>>[vector<16xi32>], vector<16xf32>,
      %add3A_304 = arith.constant 2 : i32
      %add3A_305 = vector.broadcast %add3A_304 : i32 to vector<16xi32>
      %add3A_306 = arith.addi %mul3A_285, %add3A_305 : vector<16xi32>
      tpu.vector_store_idx %arg7[%add3A_306], %gather3A_303 : memref<4096xf32, #tpu.memory_space<vmem>>[vector<16xi32>], vector<16xf32>,
      %add3A_307 = arith.constant 3 : i32
      %add3A_308 = vector.broadcast %add3A_307 : i32 to vector<16xi32>
      %add3A_309 = arith.addi %mul3A_278, %add3A_308 : vector<16xi32>
      %gather3A_310 = tpu.vector_load_idx %arg6[%add3A_309] : memref<256xf32, #tpu.memory_space<vmem>>[vector<16xi32>], vector<16xf32>,
      %add3A_311 = arith.constant 3 : i32
      %add3A_312 = vector.broadcast %add3A_311 : i32 to vector<16xi32>
      %add3A_313 = arith.addi %mul3A_285, %add3A_312 : vector<16xi32>
      tpu.vector_store_idx %arg7[%add3A_313], %gather3A_310 : memref<4096xf32, #tpu.memory_space<vmem>>[vector<16xi32>], vector<16xf32>,
      %scan3A_314 = arith.constant 7 : i32
      %scan3A_315 = arith.addi %scan3A_10, %scan3A_314 : i32
      %mul3A_316 = arith.constant 16 : i32
      %mul3A_317 = arith.muli %scan3A_315, %mul3A_316 : i32
      %get3A_318 = arith.index_cast %mul3A_317 : i32 to index
      %get3A_319 = tpu.vector_load %arg5[%get3A_318] {strides = array<i32>} : memref<1024xi32, #tpu.memory_space<vmem>>, vector<16xi32>,
      %mul3A_320 = arith.constant 4 : i32
      %mul3A_321 = vector.broadcast %mul3A_320 : i32 to vector<16xi32>
      %mul3A_322 = arith.muli %get3A_319, %mul3A_321 : vector<16xi32>
      %mul3A_323 = arith.constant 16 : i32
      %mul3A_324 = arith.muli %scan3A_315, %mul3A_323 : i32
      %add3A_325 = vector.broadcast %mul3A_324 : i32 to vector<16xi32>
      %add3A_326 = arith.addi %add3A_325, %iota3A : vector<16xi32>
      %mul3A_327 = arith.constant 4 : i32
      %mul3A_328 = vector.broadcast %mul3A_327 : i32 to vector<16xi32>
      %mul3A_329 = arith.muli %add3A_326, %mul3A_328 : vector<16xi32>
      %add3A_330 = arith.constant 0 : i32
      %add3A_331 = vector.broadcast %add3A_330 : i32 to vector<16xi32>
      %add3A_332 = arith.addi %mul3A_322, %add3A_331 : vector<16xi32>
      %gather3A_333 = tpu.vector_load_idx %arg6[%add3A_332] : memref<256xf32, #tpu.memory_space<vmem>>[vector<16xi32>], vector<16xf32>,
      %add3A_334 = arith.constant 0 : i32
      %add3A_335 = vector.broadcast %add3A_334 : i32 to vector<16xi32>
      %add3A_336 = arith.addi %mul3A_329, %add3A_335 : vector<16xi32>
      tpu.vector_store_idx %arg7[%add3A_336], %gather3A_333 : memref<4096xf32, #tpu.memory_space<vmem>>[vector<16xi32>], vector<16xf32>,
      %add3A_337 = arith.constant 1 : i32
      %add3A_338 = vector.broadcast %add3A_337 : i32 to vector<16xi32>
      %add3A_339 = arith.addi %mul3A_322, %add3A_338 : vector<16xi32>
      %gather3A_340 = tpu.vector_load_idx %arg6[%add3A_339] : memref<256xf32, #tpu.memory_space<vmem>>[vector<16xi32>], vector<16xf32>,
      %add3A_341 = arith.constant 1 : i32
      %add3A_342 = vector.broadcast %add3A_341 : i32 to vector<16xi32>
      %add3A_343 = arith.addi %mul3A_329, %add3A_342 : vector<16xi32>
      tpu.vector_store_idx %arg7[%add3A_343], %gather3A_340 : memref<4096xf32, #tpu.memory_space<vmem>>[vector<16xi32>], vector<16xf32>,
      %add3A_344 = arith.constant 2 : i32
      %add3A_345 = vector.broadcast %add3A_344 : i32 to vector<16xi32>
      %add3A_346 = arith.addi %mul3A_322, %add3A_345 : vector<16xi32>
      %gather3A_347 = tpu.vector_load_idx %arg6[%add3A_346] : memref<256xf32, #tpu.memory_space<vmem>>[vector<16xi32>], vector<16xf32>,
      %add3A_348 = arith.constant 2 : i32
      %add3A_349 = vector.broadcast %add3A_348 : i32 to vector<16xi32>
      %add3A_350 = arith.addi %mul3A_329, %add3A_349 : vector<16xi32>
      tpu.vector_store_idx %arg7[%add3A_350], %gather3A_347 : memref<4096xf32, #tpu.memory_space<vmem>>[vector<16xi32>], vector<16xf32>,
      %add3A_351 = arith.constant 3 : i32
      %add3A_352 = vector.broadcast %add3A_351 : i32 to vector<16xi32>
      %add3A_353 = arith.addi %mul3A_322, %add3A_352 : vector<16xi32>
      %gather3A_354 = tpu.vector_load_idx %arg6[%add3A_353] : memref<256xf32, #tpu.memory_space<vmem>>[vector<16xi32>], vector<16xf32>,
      %add3A_355 = arith.constant 3 : i32
      %add3A_356 = vector.broadcast %add3A_355 : i32 to vector<16xi32>
      %add3A_357 = arith.addi %mul3A_329, %add3A_356 : vector<16xi32>
      tpu.vector_store_idx %arg7[%add3A_357], %gather3A_354 : memref<4096xf32, #tpu.memory_space<vmem>>[vector<16xi32>], vector<16xf32>,
    }
    %scan3A_7 = arith.constant 64 : i32
    %mul3A_8 = arith.constant 4 : i32
    %mul3A_9 = arith.muli %mul3A_0, %mul3A_8 : i32
    "tpu.region"() ({
      %run_scoped3A = tpu.sem_alloc : memref<!tpu.dma_semaphore, #tpu.memory_space<semaphore_mem>>
      %dma_start3A_10 = tpu.memref_slice %arg4[%mul3A_9] : memref<65536xf32, #tpu.memory_space<hbm>> -> memref<4096xf32, #tpu.memory_space<hbm>>
      %dma_start3A_11 = tpu.memref_slice %arg4[%mul3A_9] : memref<65536xf32, #tpu.memory_space<hbm>> -> memref<4096xf32, #tpu.memory_space<hbm>>
      tpu.enqueue_dma source(%arg7 : memref<4096xf32, #tpu.memory_space<vmem>>) target(%dma_start3A_11 : memref<4096xf32, #tpu.memory_space<hbm>>) target_semaphore(%run_scoped3A : memref<!tpu.dma_semaphore, #tpu.memory_space<semaphore_mem>>)
      %dma_wait3A_12 = tpu.memref_slice %arg4[%mul3A_9] : memref<65536xf32, #tpu.memory_space<hbm>> -> memref<4096xf32, #tpu.memory_space<hbm>>
      %dma_wait3A_13 = tpu.memref_slice %arg4[%mul3A_9] : memref<65536xf32, #tpu.memory_space<hbm>> -> memref<4096xf32, #tpu.memory_space<hbm>>
      tpu.wait_dma2 semaphore(%run_scoped3A : memref<!tpu.dma_semaphore, #tpu.memory_space<semaphore_mem>>) src(%arg7 : memref<4096xf32, #tpu.memory_space<vmem>>) dst(%dma_wait3A_13 : memref<4096xf32, #tpu.memory_space<hbm>>)
      tpu.yield
    }) : () -> ()
    return
  }
}

module attributes {stable_mosaic.version = 14 : i64} {
  func.func @_mlp_table_kernel(%arg0: memref<64x4xf32, #tpu.memory_space<vmem>>, %arg1: memref<4x10xf32, #tpu.memory_space<vmem>>, %arg2: memref<1x10xf32, #tpu.memory_space<vmem>>, %arg3: memref<10x10xf32, #tpu.memory_space<vmem>>, %arg4: memref<1x10xf32, #tpu.memory_space<vmem>>, %arg5: memref<10x4xf32, #tpu.memory_space<vmem>>, %arg6: memref<1x4xf32, #tpu.memory_space<vmem>>, %arg7: memref<64x4xf32, #tpu.memory_space<vmem>>) attributes {dimension_semantics = [], scalar_prefetch = 0 : i64, scratch_operands = 0 : i64, tpu.core_type = #tpu.core_type<tc>} {
    %get3A = arith.constant 0 : index
    %get3A_0 = arith.constant 0 : index
    %get3A_1 = vector.load %arg0[%get3A, %get3A_0] : memref<64x4xf32, #tpu.memory_space<vmem>>, vector<64x4xf32>
    %get3A_2 = arith.constant 0 : index
    %get3A_3 = arith.constant 0 : index
    %get3A_4 = vector.load %arg1[%get3A_2, %get3A_3] : memref<4x10xf32, #tpu.memory_space<vmem>>, vector<4x10xf32>
    %dot_general3A = arith.constant dense<0.000000e+00> : vector<64x10xf32>
    %dot_general3A_5 = tpu.matmul %get3A_1, %get3A_4, %dot_general3A {dimension_numbers = #tpu.dot_dimension_numbers<[1], [0], [0], [1], [0, 0, 1, 1], [], []>, transpose_lhs_hint = false} : vector<64x4xf32>, vector<4x10xf32>, vector<64x10xf32> -> vector<64x10xf32>
    %get3A_6 = arith.constant 0 : index
    %get3A_7 = arith.constant 0 : index
    %get3A_8 = vector.load %arg2[%get3A_6, %get3A_7] : memref<1x10xf32, #tpu.memory_space<vmem>>, vector<1x10xf32>
    %add3A = vector.broadcast %get3A_8 : vector<1x10xf32> to vector<64x10xf32>
    %add3A_9 = arith.addf %dot_general3A_5, %add3A : vector<64x10xf32>
    %mul3A = arith.constant 5.000000e-01 : f32
    %mul3A_10 = vector.broadcast %mul3A : f32 to vector<64x10xf32>
    %mul3A_11 = arith.mulf %mul3A_10, %add3A_9 : vector<64x10xf32>
    %mul3A_12 = arith.constant 0.707106769 : f32
    %mul3A_13 = vector.broadcast %mul3A_12 : f32 to vector<64x10xf32>
    %mul3A_14 = arith.mulf %add3A_9, %mul3A_13 : vector<64x10xf32>
    %erf3A = math.erf %mul3A_14 : vector<64x10xf32>
    %add3A_15 = arith.constant 1.000000e+00 : f32
    %add3A_16 = vector.broadcast %add3A_15 : f32 to vector<64x10xf32>
    %add3A_17 = arith.addf %add3A_16, %erf3A : vector<64x10xf32>
    %mul3A_18 = arith.mulf %mul3A_11, %add3A_17 : vector<64x10xf32>
    %get3A_19 = arith.constant 0 : index
    %get3A_20 = arith.constant 0 : index
    %get3A_21 = vector.load %arg3[%get3A_19, %get3A_20] : memref<10x10xf32, #tpu.memory_space<vmem>>, vector<10x10xf32>
    %dot_general3A_22 = arith.constant dense<0.000000e+00> : vector<64x10xf32>
    %dot_general3A_23 = tpu.matmul %mul3A_18, %get3A_21, %dot_general3A_22 {dimension_numbers = #tpu.dot_dimension_numbers<[1], [0], [0], [1], [0, 0, 1, 1], [], []>, transpose_lhs_hint = false} : vector<64x10xf32>, vector<10x10xf32>, vector<64x10xf32> -> vector<64x10xf32>
    %get3A_24 = arith.constant 0 : index
    %get3A_25 = arith.constant 0 : index
    %get3A_26 = vector.load %arg4[%get3A_24, %get3A_25] : memref<1x10xf32, #tpu.memory_space<vmem>>, vector<1x10xf32>
    %add3A_27 = vector.broadcast %get3A_26 : vector<1x10xf32> to vector<64x10xf32>
    %add3A_28 = arith.addf %dot_general3A_23, %add3A_27 : vector<64x10xf32>
    %mul3A_29 = arith.constant 5.000000e-01 : f32
    %mul3A_30 = vector.broadcast %mul3A_29 : f32 to vector<64x10xf32>
    %mul3A_31 = arith.mulf %mul3A_30, %add3A_28 : vector<64x10xf32>
    %mul3A_32 = arith.constant 0.707106769 : f32
    %mul3A_33 = vector.broadcast %mul3A_32 : f32 to vector<64x10xf32>
    %mul3A_34 = arith.mulf %add3A_28, %mul3A_33 : vector<64x10xf32>
    %erf3A_35 = math.erf %mul3A_34 : vector<64x10xf32>
    %add3A_36 = arith.constant 1.000000e+00 : f32
    %add3A_37 = vector.broadcast %add3A_36 : f32 to vector<64x10xf32>
    %add3A_38 = arith.addf %add3A_37, %erf3A_35 : vector<64x10xf32>
    %mul3A_39 = arith.mulf %mul3A_31, %add3A_38 : vector<64x10xf32>
    %get3A_40 = arith.constant 0 : index
    %get3A_41 = arith.constant 0 : index
    %get3A_42 = vector.load %arg5[%get3A_40, %get3A_41] : memref<10x4xf32, #tpu.memory_space<vmem>>, vector<10x4xf32>
    %dot_general3A_43 = arith.constant dense<0.000000e+00> : vector<64x4xf32>
    %dot_general3A_44 = tpu.matmul %mul3A_39, %get3A_42, %dot_general3A_43 {dimension_numbers = #tpu.dot_dimension_numbers<[1], [0], [0], [1], [0, 0, 1, 1], [], []>, transpose_lhs_hint = false} : vector<64x10xf32>, vector<10x4xf32>, vector<64x4xf32> -> vector<64x4xf32>
    %get3A_45 = arith.constant 0 : index
    %get3A_46 = arith.constant 0 : index
    %get3A_47 = vector.load %arg6[%get3A_45, %get3A_46] : memref<1x4xf32, #tpu.memory_space<vmem>>, vector<1x4xf32>
    %add3A_48 = vector.broadcast %get3A_47 : vector<1x4xf32> to vector<64x4xf32>
    %add3A_49 = arith.addf %dot_general3A_44, %add3A_48 : vector<64x4xf32>
    %swap3A = arith.constant 0 : index
    %swap3A_50 = arith.constant 0 : index
    %swap3A_51 = vector.load %arg7[%swap3A, %swap3A_50] : memref<64x4xf32, #tpu.memory_space<vmem>>, vector<64x4xf32>
    tpu.vector_store %arg7[%swap3A, %swap3A_50], %add3A_49 {strides = array<i32>} : memref<64x4xf32, #tpu.memory_space<vmem>>, vector<64x4xf32>,
    return
  }
}

</mosaic_0001>

<sc_bundles>
// kernel: kernel.4.cloned.1.call-start
scs
__scs_entry_jumppad:
0x0: {  	(pc) =	sbr.rel $0x88, $3  }
0x1: {  	(tag) =	ssettag $0x0;
	lr =	simm.s32 $0x1  }
0x2: {  	[smem:$0x3F99] =	sst lr;
	_ =	strace $0xD0000000  }
0x3: {  	_ = 	snop  }
0x4: {  	_ = 	snop  }
0x5: {  	_ = 	snop  }
0x6: {  	_ = 	snop  }
0x7: {  	_ = 	snop  }
__scs_overlays_trampoline_lowered:
0x8: {  	[smem:$0x3FA8] =	sst s0  }
0x9: {  	[smem:$0x3FA9] =	sst s1  }
0xa: {  	[smem:$0x3FAA] =	sst s2  }
0xb: {  	[smem:$0x3FAB] =	sst s3  }
0xc: {  	[smem:$0x3FAC] =	sst s4  }
0xd: {  	[smem:$0x3FAD] =	sst s5  }
0xe: {  	[smem:$0x3FAE] =	sst s6  }
0xf: {  	[smem:$0x3FAF] =	sst s7  }
0x10: {  	[smem:$0x3FB0] =	sst s8  }
0x11: {  	[smem:$0x3FB1] =	sst s9;
	s0 =	simm.s32 @!p0 $0x0  }
0x12: {  	s1 =	sld [smem:$0x3F97];
	s0 =	simm.s32 @p0 $0x1  }
0x13: {  	[smem:$0x3FB2] =	sst s0;
	s0 =	simm.s32 @!p1 $0x0  }
0x14: {  	s2 =	sld [smem:$0x3F96];
	s0 =	simm.s32 @p1 $0x1  }
0x15: {  	[smem:$0x3FB3] =	sst s0;
	s0 =	simm.s32 @!p2 $0x0  }
0x16: {  	s3 =	sld [smem:$0x3FDB];
	s0 =	simm.s32 @p2 $0x1  }
0x17: {  	s4 =	simm.s32 $0x1BF5;
	[smem:$0x3FB5] =	sst s0  }
0x18: {  	s0 =	sld [smem:$0x3F98];
	_ =	swait.ge [sflag:s4], $0x0  }
0x19: {  	s7 =	sld [smem:$0x3F99]  }
0x1a: {  	s8 =	sadd.s32 $0xFFFFE003, lr  }
0x1b: {  	s9 =	sadd.s32 $0xFFFFFEF7, lr;
	s5 =	simm.s32 $0xFFFFFFFF;
	p2 =	slt.u32 s8, $0xFFFFF086  }
0x1c: {  	p1 =	slt.u32 s9, $0xF7A;
	s5 =	simm.s32 @!p2 $0x0  }
0x1d: {  	s5 =	simm.s32 @p1 $0x1;
	p0 =	seq.s32 s7, s2  }
0x1e: {  	s7 =	smul.u32 @!p0 $0xF7A, s2;
	p2 =	seq.s32 @!p0 s5, $0x0  }
0x1f: {  	s9 =	smul.u32 $0xF7A, s1;
	s8 =	simm.s32 @!p0 $0x1BF5;
	p2 =	por !p2, p0  }
0x20: {  	[sflag:s8] =	ssyncset.s32 @!p0 $0xFFFFF086;
	s6 =	sadd.s32 @!p0 s3, s7;
	s7 =	simm.s32 @!p0 $0x108  }
0x21: {  	s3 =	sadd.s32 s3, s9;
	s6 =	sadd.s32 @!p0 $0x88, s6;
	s7 =	simm.s32 @p2 $0x1082  }
0x22: {  	[simem:s7], [sflag:s8] =	dma.local @!p0 [hbm:s6], $0xF7A  }
0x23: {  	s9 =	sor.u32 $0xD0000000, s2;
	s6 =	simm.s32 $0x108;
	_ =	swait.ge @!p0 [sflag:s8], $0x0  }
0x24: {  	s3 =	sadd.s32 $0x88, s3;
	s6 =	simm.s32 @!p1 $0x1082;
	[sflag:s4] =	ssyncset.s32 $0xFFFFF086  }
0x25: {  	[simem:s6], [sflag:s4] =	dma.local [hbm:s3], $0xF7A  }
0x26: {  	[smem:$0x3F99] =	sst s1;
	(tag) =	ssettag s2;
	_ =	strace s9  }
0x27: {  	s1 =	sld [smem:$0x3FA9]  }
0x28: {  	s2 =	sld [smem:$0x3FAA]  }
0x29: {  	s4 =	sld [smem:$0x3FAC]  }
0x2a: {  	p0 =	seq.s32 s5, $0x0;
	s5 =	sld [smem:$0x3FAD]  }
0x2b: {  	s6 =	sld [smem:$0x3FAE]  }
0x2c: {  	s7 =	sld [smem:$0x3FAF]  }
0x2d: {  	s3 =	simm.s32 $0x108;
	s8 =	sld [smem:$0x3FB0]  }
0x2e: {  	s3 =	simm.s32 @!p0 $0x1082;
	s9 =	sld [smem:$0x3FB1]  }
0x2f: {  	lr =	sadd.s32 s0, s3;
	s0 =	sld [smem:$0x3FA8]  }
0x30: {  	s3 =	sld [smem:$0x3FAB]  }
0x31: {  	[smem:$0x3FB4] =	sst s10  }
0x32: {  	s10 =	sld [smem:$0x3FB2];
	_ =	sdelay $0x3  }
0x33: {  	p0 =	seq.s32 s10, $0x1;
	s10 =	sld [smem:$0x3FB4];
	_ =	sdelay $0x3  }
0x34: {  	[smem:$0x3FB4] =	sst s10  }
0x35: {  	s10 =	sld [smem:$0x3FB3];
	_ =	sdelay $0x3  }
0x36: {  	p1 =	seq.s32 s10, $0x1;
	s10 =	sld [smem:$0x3FB4];
	_ =	sdelay $0x3  }
0x37: {  	[smem:$0x3FB4] =	sst s10  }
0x38: {  	s10 =	sld [smem:$0x3FB5]  }
0x39: {  	_ = 	snop;
	(pc) =	sbr.ind lr, $3  }
0x3a: {  	_ = 	snop  }
0x3b: {  	_ = 	snop  }
0x3c: {  	p2 =	seq.s32 s10, $0x1;
	s10 =	sld [smem:$0x3FB4]  }
0x3d: {  	_ =	shalt  }
0x3e: {  	_ =	shalt  }
0x3f: {  	_ =	shalt  }
0x40: {  	_ =	shalt  }
0x41: {  	_ =	shalt  }
0x42: {  	_ =	shalt  }
0x43: {  	_ =	shalt  }
0x44: {  	_ =	shalt  }
0x45: {  	_ =	shalt  }
0x46: {  	_ =	shalt  }
0x47: {  	_ =	shalt  }
0x48: {  	_ =	shalt  }
0x49: {  	_ =	shalt  }
0x4a: {  	_ =	shalt  }
0x4b: {  	_ =	shalt  }
0x4c: {  	_ =	shalt  }
0x4d: {  	_ =	shalt  }
0x4e: {  	_ =	shalt  }
0x4f: {  	_ =	shalt  }
0x50: {  	_ =	shalt  }
0x51: {  	_ =	shalt  }
0x52: {  	_ =	shalt  }
0x53: {  	_ =	shalt  }
0x54: {  	_ =	shalt  }
0x55: {  	_ =	shalt  }
0x56: {  	_ =	shalt  }
0x57: {  	_ =	shalt  }
0x58: {  	_ =	shalt  }
0x59: {  	_ =	shalt  }
0x5a: {  	_ =	shalt  }
0x5b: {  	_ =	shalt  }
0x5c: {  	_ =	shalt  }
0x5d: {  	_ =	shalt  }
0x5e: {  	_ =	shalt  }
0x5f: {  	_ =	shalt  }
0x60: {  	_ =	shalt  }
0x61: {  	_ =	shalt  }
0x62: {  	_ =	shalt  }
0x63: {  	_ =	shalt  }
0x64: {  	_ =	shalt  }
0x65: {  	_ =	shalt  }
0x66: {  	_ =	shalt  }
0x67: {  	_ =	shalt  }
0x68: {  	_ =	shalt  }
0x69: {  	_ =	shalt  }
0x6a: {  	_ =	shalt  }
0x6b: {  	_ =	shalt  }
0x6c: {  	_ =	shalt  }
0x6d: {  	_ =	shalt  }
0x6e: {  	_ =	shalt  }
0x6f: {  	_ =	shalt  }
0x70: {  	_ =	shalt  }
0x71: {  	_ =	shalt  }
0x72: {  	_ =	shalt  }
0x73: {  	_ =	shalt  }
0x74: {  	_ =	shalt  }
0x75: {  	_ =	shalt  }
0x76: {  	_ =	shalt  }
0x77: {  	_ =	shalt  }
0x78: {  	_ =	shalt  }
0x79: {  	_ =	shalt  }
0x7a: {  	_ =	shalt  }
0x7b: {  	_ =	shalt  }
0x7c: {  	_ =	shalt  }
0x7d: {  	_ =	shalt  }
0x7e: {  	_ =	shalt  }
0x7f: {  	_ =	shalt  }
0x80: {  	_ =	shalt  }
0x81: {  	_ =	shalt  }
0x82: {  	_ =	shalt  }
0x83: {  	_ =	shalt  }
0x84: {  	_ =	shalt  }
0x85: {  	_ =	shalt  }
0x86: {  	_ =	shalt  }
0x87: {  	_ =	shalt  }
.Lfunc_end0:
.L_simem_size_0:
called_computation_lowered:
.L_overlay_start_0:
0x88: {  	s0 =	sld [smem:$0x3FD9]  }
0x89: {  	s1 =	sld [smem:$0x3FFE];
	_ =	sdelay $0x3  }
0x8a: {  	s0 =	sadd.s32 s1, s0  }
0x8b: {  	[smem:$0x3FC0] =	sst s0  }
0x8c: {  	_ = 	snop  }
0x8d: {  	s0 =	sld [smem:$0x3FC9]  }
0x8e: {  	s16 =	sld [smem:$0x3FD0];
	(tm) =	ssettm $0x1  }
0x8f: {  	s2 =	sld [smem:$0x3FFB];
	_ =	sdelay $0x3  }
0x90: {  	_ =	strace s2  }
0x91: {  	s2 =	sld [smem:$0x3FFC];
	_ =	sdelay $0x3  }
0x92: {  	_ =	strace s2  }
0x93: {  	s2 =	sld [smem:$0x3FFD];
	_ =	sdelay $0x3  }
0x94: {  	_ =	strace s2  }
0x95: {  	_ =	strace $0x8FFFFFFF  }
0x96: {  	s17 =	sld [smem:$0x3FDB];
	_ =	sdelay $0x1  }
0x97: {  	s3 =	simm.s32 $_scs_section_size  }
0x98: {  	s4 =	simm.s32 $_size__tile_overlayer_lowered;
	s5 =	simm.s32 $_tile_overlayer_lowered  }
0x99: {  	s20 =	simm.s32 $0x1BFF;
	s19 =	sshll.u32 s5, $0x1;
	s2 =	sadd.s32 s3, s17  }
0x9a: {  	s6 =	simm.s32 $0x0;
	s18 =	sshll.u32 s4, $0x1;
	s4 =	sadd.s32 s19, s2  }
0x9b: {  	[timem:s6], [sflag:s20] =	dma.local [hbm:s4], s18  }
0x9c: {  	_ =	swait.ge [sflag:s20], s18  }
0x9d: {  	s3 =	ssub.s32 $0x0, s18;
	[sflag:s20] =	ssyncset.done $0x0  }
0x9e: {  	[sflag:s20] =	ssyncadd.s32 s3;
	_ =	sdelay $0x1  }
0x9f: {  	s21 =	simm.s32 $0x1B8B  }
0xa0: {  	_ =	swait.ge [sflag:s21], $0x1  }
0xa1: {  	[sflag:s21] =	ssyncset.done $0x0  }
0xa2: {  	s23 =	simm.s32 $0x1B8E;
	s22 =	sld [smem:$0x3FFE];
	[sflag:s21] =	ssyncadd.s32 $0xFFFFFFFF  }
0xa3: {  	s24 =	simm.s32 $execute0_lowered;
	[smem:$0x3FD2] =	sst s23  }
0xa4: {  	s4 =	sshll.u32 s24, $0x1;
	_ =	strace $0x80000046;
	[dreg:$0x1] =	wrdreg $0xFFFFFFFF  }
0xa5: {  	s25 =	simm.s32 $_size_execute0_lowered;
	s2 =	sadd.s32 s2, s4;
	[dreg:$0x0] =	wrdreg $0x0  }
0xa6: {  	s4 =	sshll.u32 s25, $0x1;
	[dreg:$0x2] =	wrdreg s2  }
0xa7: {  	[dreg:$0x3] =	wrdreg s4  }
0xa8: {  	[dreg:$0x4] =	wrdreg $0xC0  }
0xa9: {  	_ =	task [dreg:s6], $0x5FFFF  }
0xaa: {  	[dreg:$0x1] =	wrdreg $0xFFFFFFFF  }
0xab: {  	[dreg:$0x0] =	wrdreg $0x60  }
0xac: {  	[dreg:$0x2] =	wrdreg s0  }
0xad: {  	[dreg:$0x3] =	wrdreg s22  }
0xae: {  	[dreg:$0x4] =	wrdreg s16  }
0xaf: {  	[dreg:$0x5] =	wrdreg $0x9  }
0xb0: {  	_ =	task.clear_ibuf [dreg:s6], $0x6FFFF;
	_ =	strace $0x90000046  }
0xb1: {  	s26 =	simm.s32 $0x9;
	_ =	strace $0x80000048  }
0xb2: {  	_ =	swait.ge [sflag:s26], $0x1  }
0xb3: {  	[sflag:s26] =	ssyncadd.s32 $0xFFFFFFFF  }
0xb4: {  	_ =	strace $0x90000048  }
0xb5: {  	_ =	sfence  }
0xb6: {  	s28 =	sld [smem:$0x0];
	_ =	sdelay $0x1  }
0xb7: {  	s29 =	srdreg.scid  }
0xb8: {  	s30 =	sshll.u32 s29, $0xD;
	s31 =	sshrl.u32 s29, $0x2  }
0xb9: {  	s1 =	sand.u32 $0x1, s29;
	s2 =	sand.u32 $0x4000, s30;
	s0 =	sadd.s32 s31, s28  }
0xba: {  	s1 =	sor.u32 s2, s1;
	s0 =	sshll.u32 s0, $0x11  }
0xbb: {  	s0 =	sor.u32 s0, s1  }
0xbc: {  	s0 =	sadd.s32 $0x8F2B, s0  }
0xbd: {  	[sflag:s0] =	ssyncadd.remote.s32 $0x1  }
0xbe: {  	_ =	sfence.sel $0xFFFF  }
0xbf: {  	[dreg:$0x0] =	wrdreg $0xFFFFFFFF;
	(pc) =	sbr.abs _section_cstart, $3  }
0xc0: {  	[dreg:$0x1] =	wrdreg $0xFFFFFFFF  }
0xc1: {  	_ =	task.clear_ibuf [dreg:s6], $0x2FFFF;
	_ =	strace $0x9FFFFFFF  }
0xc2: {  	(tm) =	ssettm $0x7FFFFFFF  }
0xc3: {  	_ =	shalt  }
tec
execute0_lowered:
.L_overlay_start_1:
0x0: {  	(tag) =	ssettag $0x1  }
0x1: {  	s3 =	rddreg [dreg:$0x0]  }
0x2: {  	s4 =	rddreg [dreg:$0x1]  }
0x3: {  	s2 =	rddreg [dreg:$0x2];
	s5 =	simm.s32 $0x0;
	s1 =	stileid.u32  }
0x4: {  	[smem:$0x7FF] =	sst s5;
	s6 =	sshll.u32 s1, $0x7  }
0x5: {  	s0 =	rddreg [dreg:$0x3];
	_ =	strace $0x80000047;
	s3 =	sadd.s32 s3, s6  }
0x6: {  	[tilespmem:s5], [sflag:$0x1] =	stream.linear.gather [hbm4b:s3+s5], $0x400, $0x38;
	[tilespmem:$0x1500] =	vst v63  }
0x7: {  	s31 =	simm.s32 $0x1;
	s4 =	sadd.s32 $0xE00, s4;
	s3 =	simm.s32 $0x400  }
0x8: {  	[tilespmem:s3], [sflag:$0x1] =	stream.linear.gather [hbm4b:s4+s5], $0x100, $0x38;
	[tilespmem:$0x1500] =	vst v63  }
0x9: {  	_ =	swait.ge [sflag:s31], $0x400  }
0xa: {  	[sflag:s31] =	ssyncset.done $0x0  }
0xb: {  	[sflag:s31] =	ssyncadd.s32 $0xFFFFFC00  }
0xc: {  	_ =	swait.ge [sflag:s31], $0x100  }
0xd: {  	v0 =	vlaneseq.u32;
	s7 =	simm.s32 $0x500;
	s6 =	simm.s32 $0x40;
	[sflag:s31] =	ssyncset.done $0x0  }
0xe: {  	v0 =	vmul.u32 $0x4, v0;
	s4 =	simm.s32 $0xFFFFFFF8;
	s5 =	simm.s32 $0x70;
	[sflag:s31] =	ssyncadd.s32 $0xFFFFFF00  }
.LBB2_1:
0xf: {  	v1 =	vld [tilespmem:s6+$0xFFFFFFC0];
	_ =	sdelay $0x4  }
0x10: {  	v1 =	vshll.u32 v1, $0x2;
	_ =	sdelay $0x1  }
0x11: {  	s8 =	sadd.s32 $0xFFFFFF90, s5  }
0x12: {  	v2 =	vmov s8  }
0x13: {  	v2 =	vshll.u32 v2, $0x2  }
0x14: {  	v2 =	vor.u32 v0, v2;
	v3 =	vld.idx.msk [tilespmem:v1+s3+$0x0], $0xffff  }
0x15: {  	v4 =	vor.u32 $0x1, v1;
	_ =	sdelay $0x3  }
0x16: {  	[tilespmem:v2+s7+$0x0] =	vst.idx.msk $0xffff, v3  }
0x17: {  	v34 =	vor.u32 $0x1, v2;
	v3 =	vld.idx.msk [tilespmem:v4+s3+$0x0], $0xffff  }
0x18: {  	v5 =	vor.u32 $0x2, v1;
	_ =	sdelay $0x3  }
0x19: {  	[tilespmem:v34+s7+$0x0] =	vst.idx.msk $0xffff, v3  }
0x1a: {  	v35 =	vor.u32 $0x2, v2;
	v3 =	vld.idx.msk [tilespmem:v5+s3+$0x0], $0xffff  }
0x1b: {  	v1 =	vor.u32 $0x3, v1;
	_ =	sdelay $0x3  }
0x1c: {  	[tilespmem:v35+s7+$0x0] =	vst.idx.msk $0xffff, v3  }
0x1d: {  	v2 =	vor.u32 $0x3, v2;
	v1 =	vld.idx.msk [tilespmem:v1+s3+$0x0], $0xffff;
	_ =	sdelay $0x4  }
0x1e: {  	[tilespmem:v2+s7+$0x0] =	vst.idx.msk $0xffff, v1  }
0x1f: {  	v1 =	vld [tilespmem:s6+$0xFFFFFFD0];
	_ =	sdelay $0x4  }
0x20: {  	v1 =	vshll.u32 v1, $0x2;
	_ =	sdelay $0x1  }
0x21: {  	s25 =	sadd.s32 $0xFFFFFFA0, s5  }
0x22: {  	v2 =	vmov s25  }
0x23: {  	v2 =	vshll.u32 v2, $0x2  }
0x24: {  	v2 =	vor.u32 v0, v2;
	v3 =	vld.idx.msk [tilespmem:v1+s3+$0x0], $0xffff  }
0x25: {  	v36 =	vor.u32 $0x1, v1;
	_ =	sdelay $0x3  }
0x26: {  	[tilespmem:v2+s7+$0x0] =	vst.idx.msk $0xffff, v3  }
0x27: {  	v37 =	vor.u32 $0x1, v2;
	v3 =	vld.idx.msk [tilespmem:v36+s3+$0x0], $0xffff  }
0x28: {  	v38 =	vor.u32 $0x2, v1;
	_ =	sdelay $0x3  }
0x29: {  	[tilespmem:v37+s7+$0x0] =	vst.idx.msk $0xffff, v3  }
0x2a: {  	v39 =	vor.u32 $0x2, v2;
	v3 =	vld.idx.msk [tilespmem:v38+s3+$0x0], $0xffff  }
0x2b: {  	v1 =	vor.u32 $0x3, v1;
	_ =	sdelay $0x3  }
0x2c: {  	[tilespmem:v39+s7+$0x0] =	vst.idx.msk $0xffff, v3  }
0x2d: {  	v2 =	vor.u32 $0x3, v2;
	v1 =	vld.idx.msk [tilespmem:v1+s3+$0x0], $0xffff;
	_ =	sdelay $0x4  }
0x2e: {  	[tilespmem:v2+s7+$0x0] =	vst.idx.msk $0xffff, v1  }
0x2f: {  	v1 =	vld [tilespmem:s6+$0xFFFFFFE0];
	_ =	sdelay $0x4  }
0x30: {  	v1 =	vshll.u32 v1, $0x2;
	_ =	sdelay $0x1  }
0x31: {  	s26 =	sadd.s32 $0xFFFFFFB0, s5  }
0x32: {  	v2 =	vmov s26  }
0x33: {  	v2 =	vshll.u32 v2, $0x2  }
0x34: {  	v2 =	vor.u32 v0, v2;
	v3 =	vld.idx.msk [tilespmem:v1+s3+$0x0], $0xffff  }
0x35: {  	v40 =	vor.u32 $0x1, v1;
	_ =	sdelay $0x3  }
0x36: {  	[tilespmem:v2+s7+$0x0] =	vst.idx.msk $0xffff, v3  }
0x37: {  	v41 =	vor.u32 $0x1, v2;
	v3 =	vld.idx.msk [tilespmem:v40+s3+$0x0], $0xffff  }
0x38: {  	v42 =	vor.u32 $0x2, v1;
	_ =	sdelay $0x3  }
0x39: {  	[tilespmem:v41+s7+$0x0] =	vst.idx.msk $0xffff, v3  }
0x3a: {  	v43 =	vor.u32 $0x2, v2;
	v3 =	vld.idx.msk [tilespmem:v42+s3+$0x0], $0xffff  }
0x3b: {  	v1 =	vor.u32 $0x3, v1;
	_ =	sdelay $0x3  }
0x3c: {  	[tilespmem:v43+s7+$0x0] =	vst.idx.msk $0xffff, v3  }
0x3d: {  	v2 =	vor.u32 $0x3, v2;
	v1 =	vld.idx.msk [tilespmem:v1+s3+$0x0], $0xffff;
	_ =	sdelay $0x4  }
0x3e: {  	[tilespmem:v2+s7+$0x0] =	vst.idx.msk $0xffff, v1  }
0x3f: {  	v1 =	vld [tilespmem:s6+$0xFFFFFFF0];
	_ =	sdelay $0x4  }
0x40: {  	v1 =	vshll.u32 v1, $0x2;
	_ =	sdelay $0x1  }
0x41: {  	s28 =	sadd.s32 $0xFFFFFFC0, s5  }
0x42: {  	v2 =	vmov s28  }
0x43: {  	v2 =	vshll.u32 v2, $0x2  }
0x44: {  	v2 =	vor.u32 v0, v2;
	v3 =	vld.idx.msk [tilespmem:v1+s3+$0x0], $0xffff  }
0x45: {  	v44 =	vor.u32 $0x1, v1;
	_ =	sdelay $0x3  }
0x46: {  	[tilespmem:v2+s7+$0x0] =	vst.idx.msk $0xffff, v3  }
0x47: {  	v45 =	vor.u32 $0x1, v2;
	v3 =	vld.idx.msk [tilespmem:v44+s3+$0x0], $0xffff  }
0x48: {  	v46 =	vor.u32 $0x2, v1;
	_ =	sdelay $0x3  }
0x49: {  	[tilespmem:v45+s7+$0x0] =	vst.idx.msk $0xffff, v3  }
0x4a: {  	v47 =	vor.u32 $0x2, v2;
	v3 =	vld.idx.msk [tilespmem:v46+s3+$0x0], $0xffff  }
0x4b: {  	v1 =	vor.u32 $0x3, v1;
	_ =	sdelay $0x3  }
0x4c: {  	[tilespmem:v47+s7+$0x0] =	vst.idx.msk $0xffff, v3  }
0x4d: {  	v2 =	vor.u32 $0x3, v2;
	v1 =	vld.idx.msk [tilespmem:v1+s3+$0x0], $0xffff;
	_ =	sdelay $0x4  }
0x4e: {  	[tilespmem:v2+s7+$0x0] =	vst.idx.msk $0xffff, v1  }
0x4f: {  	v1 =	vld [tilespmem:s6+$0x0];
	_ =	sdelay $0x4  }
0x50: {  	v1 =	vshll.u32 v1, $0x2;
	_ =	sdelay $0x1  }
0x51: {  	s29 =	sadd.s32 $0xFFFFFFD0, s5  }
0x52: {  	v2 =	vmov s29  }
0x53: {  	v2 =	vshll.u32 v2, $0x2  }
0x54: {  	v2 =	vor.u32 v0, v2;
	v3 =	vld.idx.msk [tilespmem:v1+s3+$0x0], $0xffff  }
0x55: {  	v48 =	vor.u32 $0x1, v1;
	_ =	sdelay $0x3  }
0x56: {  	[tilespmem:v2+s7+$0x0] =	vst.idx.msk $0xffff, v3  }
0x57: {  	v49 =	vor.u32 $0x1, v2;
	v3 =	vld.idx.msk [tilespmem:v48+s3+$0x0], $0xffff  }
0x58: {  	v50 =	vor.u32 $0x2, v1;
	_ =	sdelay $0x3  }
0x59: {  	[tilespmem:v49+s7+$0x0] =	vst.idx.msk $0xffff, v3  }
0x5a: {  	v51 =	vor.u32 $0x2, v2;
	v3 =	vld.idx.msk [tilespmem:v50+s3+$0x0], $0xffff  }
0x5b: {  	v1 =	vor.u32 $0x3, v1;
	_ =	sdelay $0x3  }
0x5c: {  	[tilespmem:v51+s7+$0x0] =	vst.idx.msk $0xffff, v3  }
0x5d: {  	v2 =	vor.u32 $0x3, v2;
	v1 =	vld.idx.msk [tilespmem:v1+s3+$0x0], $0xffff;
	_ =	sdelay $0x4  }
0x5e: {  	[tilespmem:v2+s7+$0x0] =	vst.idx.msk $0xffff, v1  }
0x5f: {  	v1 =	vld [tilespmem:s6+$0x10];
	_ =	sdelay $0x4  }
0x60: {  	v1 =	vshll.u32 v1, $0x2;
	_ =	sdelay $0x1  }
0x61: {  	s30 =	sadd.s32 $0xFFFFFFE0, s5  }
0x62: {  	v2 =	vmov s30  }
0x63: {  	v2 =	vshll.u32 v2, $0x2  }
0x64: {  	v2 =	vor.u32 v0, v2;
	v3 =	vld.idx.msk [tilespmem:v1+s3+$0x0], $0xffff  }
0x65: {  	v52 =	vor.u32 $0x1, v1;
	_ =	sdelay $0x3  }
0x66: {  	[tilespmem:v2+s7+$0x0] =	vst.idx.msk $0xffff, v3  }
0x67: {  	v53 =	vor.u32 $0x1, v2;
	v3 =	vld.idx.msk [tilespmem:v52+s3+$0x0], $0xffff  }
0x68: {  	v54 =	vor.u32 $0x2, v1;
	_ =	sdelay $0x3  }
0x69: {  	[tilespmem:v53+s7+$0x0] =	vst.idx.msk $0xffff, v3  }
0x6a: {  	v55 =	vor.u32 $0x2, v2;
	v3 =	vld.idx.msk [tilespmem:v54+s3+$0x0], $0xffff  }
0x6b: {  	v1 =	vor.u32 $0x3, v1;
	_ =	sdelay $0x3  }
0x6c: {  	[tilespmem:v55+s7+$0x0] =	vst.idx.msk $0xffff, v3  }
0x6d: {  	v2 =	vor.u32 $0x3, v2;
	v1 =	vld.idx.msk [tilespmem:v1+s3+$0x0], $0xffff;
	_ =	sdelay $0x4  }
0x6e: {  	[tilespmem:v2+s7+$0x0] =	vst.idx.msk $0xffff, v1  }
0x6f: {  	v1 =	vld [tilespmem:s6+$0x20];
	_ =	sdelay $0x4  }
0x70: {  	v1 =	vshll.u32 v1, $0x2;
	_ =	sdelay $0x1  }
0x71: {  	s31 =	sadd.s32 $0xFFFFFFF0, s5  }
0x72: {  	v2 =	vmov s31  }
0x73: {  	v2 =	vshll.u32 v2, $0x2  }
0x74: {  	v2 =	vor.u32 v0, v2;
	v3 =	vld.idx.msk [tilespmem:v1+s3+$0x0], $0xffff  }
0x75: {  	v56 =	vor.u32 $0x1, v1;
	_ =	sdelay $0x3  }
0x76: {  	[tilespmem:v2+s7+$0x0] =	vst.idx.msk $0xffff, v3  }
0x77: {  	v57 =	vor.u32 $0x1, v2;
	v3 =	vld.idx.msk [tilespmem:v56+s3+$0x0], $0xffff  }
0x78: {  	v58 =	vor.u32 $0x2, v1;
	_ =	sdelay $0x3  }
0x79: {  	[tilespmem:v57+s7+$0x0] =	vst.idx.msk $0xffff, v3  }
0x7a: {  	v59 =	vor.u32 $0x2, v2;
	v3 =	vld.idx.msk [tilespmem:v58+s3+$0x0], $0xffff  }
0x7b: {  	v1 =	vor.u32 $0x3, v1;
	_ =	sdelay $0x3  }
0x7c: {  	[tilespmem:v59+s7+$0x0] =	vst.idx.msk $0xffff, v3  }
0x7d: {  	v2 =	vor.u32 $0x3, v2;
	v1 =	vld.idx.msk [tilespmem:v1+s3+$0x0], $0xffff;
	_ =	sdelay $0x4  }
0x7e: {  	[tilespmem:v2+s7+$0x0] =	vst.idx.msk $0xffff, v1  }
0x7f: {  	v1 =	vld [tilespmem:s6+$0x30];
	_ =	sdelay $0x4  }
0x80: {  	v1 =	vshll.u32 v1, $0x2;
	_ =	sdelay $0x2  }
0x81: {  	v2 =	vmov s5  }
0x82: {  	v2 =	vshll.u32 v2, $0x2  }
0x83: {  	v2 =	vor.u32 v0, v2;
	v3 =	vld.idx.msk [tilespmem:v1+s3+$0x0], $0xffff  }
0x84: {  	v60 =	vor.u32 $0x1, v1;
	_ =	sdelay $0x3  }
0x85: {  	[tilespmem:v2+s7+$0x0] =	vst.idx.msk $0xffff, v3  }
0x86: {  	v61 =	vor.u32 $0x1, v2;
	v3 =	vld.idx.msk [tilespmem:v60+s3+$0x0], $0xffff  }
0x87: {  	v62 =	vor.u32 $0x2, v1;
	_ =	sdelay $0x3  }
0x88: {  	[tilespmem:v61+s7+$0x0] =	vst.idx.msk $0xffff, v3  }
0x89: {  	v63 =	vor.u32 $0x2, v2;
	v3 =	vld.idx.msk [tilespmem:v62+s3+$0x0], $0xffff  }
0x8a: {  	v1 =	vor.u32 $0x3, v1;
	_ =	sdelay $0x3  }
0x8b: {  	s4 =	sadd.s32 $0x8, s4;
	[tilespmem:v63+s7+$0x0] =	vst.idx.msk $0xffff, v3  }
0x8c: {  	p0 =	slt.u32 s4, $0x38;
	v2 =	vor.u32 $0x3, v2;
	v1 =	vld.idx.msk [tilespmem:v1+s3+$0x0], $0xffff  }
.Ltmp0:
0x8d: {  	_ = 	snop;
	(pc) =	sbr.rel @p0 .LBB2_1-.Ltmp0, $2  }
0x8e: {  	_ =	sdelay $0x2  }
0x8f: {  	s5 =	sadd.s32 $0x80, s5;
	s6 =	sadd.s32 $0x80, s6;
	[tilespmem:v2+s7+$0x0] =	vst.idx.msk $0xffff, v1  }
0x90: {  	s3 =	sshll.u32 s1, $0x9;
	s30 =	simm.s32 $0x0  }
0x91: {  	s4 =	simm.s32 $0x500;
	s31 =	simm.s32 $0x2;
	s2 =	sadd.s32 s2, s3  }
0x92: {  	[hbm4b:s2+s30] =	stream.linear.scatter [tilespmem:s4], [sflag:$0x2], $0x1000, $0x38;
	[tilespmem:$0x1500] =	vst v63  }
0x93: {  	_ =	swait.ge [sflag:s31], $0x1000  }
0x94: {  	[sflag:s31] =	ssyncset.done $0x0  }
0x95: {  	[sflag:s31] =	ssyncadd.s32 $0xFFFFF000  }
0x96: {  	_ =	sfence.sel $0x180000  }
0x97: {  	[bflag:$0x0] =	sbarrier.arrive $0xFFFF  }
0x98: {  	p0 =	sne.s32 s1, $0x0;
	_ =	strace $0x90000047  }
0x99: {  	s0 =	sadd.s32 @!p0 $0x100000, s0;
	[bflag:$0x2] =	sbarrier.arrive $0xFFFF  }
0x9a: {  	[sflag:s0] =	ssyncadd.tile.s32 @!p0 $0x1;
	_ =	shalt  }
.Lfunc_end2:
_tile_overlayer_lowered:
.L_overlay_start_2:
0x9b: {  	(tag) =	ssettag $0x2  }
0x9c: {  	s0 =	rddreg [dreg:$0x0];
	s2 =	stileid.u32  }
0x9d: {  	s1 =	rddreg [dreg:$0x1];
	p0 =	sne.s32 s2, $0x0  }
0x9e: {  	s3 =	rddreg [dreg:$0x2];
	[bflag:$0x3] =	sbarrier.arrive $0xFFFF;
	s2 =	simm.s32 @!p0 $0x1C02  }
0x9f: {  	[timem:s3], [sflag:s2] =	dma.local @!p0 [hbm:s0], s1  }
0xa0: {  	s0 =	simm.s32 @!p0 $0x2  }
0xa1: {  	_ =	swait.ge @!p0 [sflag:s0], s1  }
0xa2: {  	s1 =	ssub.s32 @!p0 $0x0, s1;
	[sflag:s0] =	ssyncset.done @!p0 $0x0  }
0xa3: {  	[sflag:s0] =	ssyncadd.s32 @!p0 s1  }
0xa4: {  	[bflag:$0x3] =	sbarrier.arrive $0xFFFF  }
0xa5: {  	_ =	shalt  }

</sc_bundles>
